<compile_context>
chip_gen: v7x
topology: tpu7x:2x2x1
jax: 0.10.2.dev20260603
libtpu: 0.0.44.dev20260713+nightly
codegen_flags: <defaults>
</compile_context>

<pallas_src>
import functools

import jax
import jax.numpy as jnp
from jax import lax
from jax.experimental import pallas as pl
from jax.experimental.pallas import tpu as pltpu
from jax.experimental.pallas import tpu_sc as plsc

D = 32
K = 8192
EPS = 1e-05
TT = 512
KC = 2048


def _ln_argmin_body(x_ref, ct_ref, n_ref, sel_ref, coln_ref):
    @pl.when(pl.program_id(0) == 0)
    def _():
        ct = ct_ref[...]
        coln_ref[...] = jnp.sum(ct * ct, axis=0, keepdims=True)

    x = x_ref[...]
    mean = jnp.mean(x, axis=-1, keepdims=True)
    diff = x - mean
    var = jnp.mean(jnp.square(diff), axis=-1, keepdims=True)
    n_ref[...] = diff / jnp.sqrt(var + EPS)

    rown = jnp.sum(x * x, axis=-1, keepdims=True)

    def dot(j):
        return lax.dot_general(x, ct_ref[:, pl.ds(j * KC, KC)],
                               (((1,), (0,)), ((), ())),
                               preferred_element_type=jnp.float32)

    nj = K // KC
    s = dot(0)
    bmin = jnp.full((TT, 1), jnp.inf, jnp.float32)
    bidx = jnp.zeros((TT, 1), jnp.int32)
    for j in range(nj):
        s_next = dot(j + 1) if j + 1 < nj else None
        coln = coln_ref[:, pl.ds(j * KC, KC)]
        d2 = jnp.maximum((rown - 2.0 * s) + coln, 0.0)
        m2 = jnp.min(d2, axis=-1, keepdims=True)
        tidx = jnp.argmin(d2, axis=-1).reshape(TT, 1) + j * KC
        tmin = jnp.sqrt(m2)
        upd = tmin < bmin
        nmin = jnp.where(upd, tmin, bmin)
        bmin = nmin.astype(jnp.bfloat16).astype(jnp.float32)
        bidx = jnp.where(upd, tidx, bidx)
        s = s_next
    sel_ref[...] = bidx


def _ln_argmin(flat, centroids_t, interpret=False):
    nt = flat.shape[0] // TT
    return pl.pallas_call(
        _ln_argmin_body,
        grid=(nt,),
        in_specs=[
            pl.BlockSpec((TT, D), lambda i: (i, 0)),
            pl.BlockSpec((D, K), lambda i: (0, 0)),
        ],
        out_specs=[
            pl.BlockSpec((TT, D), lambda i: (i, 0)),
            pl.BlockSpec((TT, 1), lambda i: (i, 0)),
        ],
        out_shape=[
            jax.ShapeDtypeStruct((flat.shape[0], D), jnp.float32),
            jax.ShapeDtypeStruct((flat.shape[0], 1), jnp.int32),
        ],
        scratch_shapes=[pltpu.VMEM((1, K), jnp.float32)],
        interpret=interpret,
    )(flat, centroids_t)


N_TOK = 8192
NW = 32
BPW = N_TOK // NW


def _sc_affine_body(n_hbm, sel_hbm, w_hbm, b_hbm, out_hbm,
                    idx_v, w_v, b_v, n_v, o_v, sem_w, sem_b):
    wid = lax.axis_index("s") * 2 + lax.axis_index("c")
    base = wid * BPW
    pltpu.sync_copy(sel_hbm.at[pl.ds(base, BPW)], idx_v)
    cw = pltpu.async_copy(w_hbm.at[idx_v], w_v, sem_w)
    cb = pltpu.async_copy(b_hbm.at[idx_v], b_v, sem_b)
    pltpu.sync_copy(n_hbm.at[pl.ds(base, BPW), :], n_v)
    cw.wait()
    cb.wait()

    def row(r, _):
        for h in (0, 16):
            o_v[r, pl.ds(h, 16)] = (n_v[r, pl.ds(h, 16)] * w_v[r, pl.ds(h, 16)]
                                    + b_v[r, pl.ds(h, 16)])
        return 0

    lax.fori_loop(0, BPW, row, 0)
    pltpu.sync_copy(o_v, out_hbm.at[pl.ds(base, BPW), :])


def _sc_affine(normalized, sel, weights, biases):
    mesh = plsc.VectorSubcoreMesh(core_axis_name="c", subcore_axis_name="s")
    kfn = pl.kernel(
        _sc_affine_body,
        mesh=mesh,
        out_type=jax.ShapeDtypeStruct((N_TOK, D), jnp.float32),
        scratch_types=[
            pltpu.VMEM((BPW,), jnp.int32),
            pltpu.VMEM((BPW, D), jnp.float32),
            pltpu.VMEM((BPW, D), jnp.float32),
            pltpu.VMEM((BPW, D), jnp.float32),
            pltpu.VMEM((BPW, D), jnp.float32),
            pltpu.SemaphoreType.DMA,
            pltpu.SemaphoreType.DMA,
        ],
        compiler_params=pltpu.CompilerParams(use_tc_tiling_on_sc=False),
    )
    return kfn(normalized, sel, weights, biases)


def kernel(input, weights, biases, centroids):
    b, t, d = input.shape
    flat = input.reshape(-1, d)
    normalized, sel2d = _ln_argmin(flat, centroids.T)
    sel = sel2d.reshape(-1)
    out = _sc_affine(normalized, sel, weights, biases)
    return out.reshape(b, t, d), sel.reshape(b, t)

# --- scband reference (transcript-rebuilt; emitter-appended) ---
"""Pipeline reference for scband-switchable-layer-norm-41901700939886 (READ-ONLY COPY).

The authoritative reference and input builder live on the scoring server;
editing this copy changes nothing except your own understanding.
"""

import jax, jax.numpy as jnp
import numpy as np

B, T, D = 8, 1024, 32
K = 8192
EPS = 1e-05

def setup_inputs(seed: int = 0) -> dict:
    key = jax.random.key(seed)
    k1, k2 = jax.random.split(key)
    inp = jax.random.normal(k1, (B, T, D), dtype=jnp.float32)
    weights = jnp.ones((K, D), dtype=jnp.float32)
    biases = jnp.zeros((K, D), dtype=jnp.float32)
    centroids = jax.random.normal(k2, (K, D), dtype=jnp.float32)
    return {"input": inp, "weights": weights, "biases": biases, "centroids": centroids}

def reference(input, weights, biases, centroids):
    # LayerNorm statistics over the normalized dims (last dim here)
    mean = jnp.mean(input, axis=-1, keepdims=True)
    diff = input - mean
    var = jnp.mean(jnp.square(diff), axis=-1, keepdims=True)
    normalized = diff / jnp.sqrt(var + EPS)
    # buckets=None path: cdist(input.flatten(start_dim=-1), centroids, p=2).argmin(-1)
    flat = input.reshape(-1, D)
    d2 = (jnp.sum(flat * flat, axis=-1, keepdims=True)
          - 2.0 * (flat @ centroids.T)
          + jnp.sum(centroids * centroids, axis=-1)[None, :])
    dist = jnp.sqrt(jnp.maximum(d2, 0.0))
    sel = jnp.argmin(dist, axis=-1).reshape(B, T)
    # per-bucket affine: equivalent to the torch masked loop since each position
    # belongs to exactly one bucket
    w = jnp.take(weights, sel, axis=0)
    b = jnp.take(biases, sel, axis=0)
    out = normalized * w + b
    return (out, sel)

if __name__ == "__main__":
    import jax
    _d = setup_inputs()
    print(jax.jit(kernel)(*tuple(_d.values())))

</pallas_src>

<mosaic_0001>
#map = affine_map<(d0, d1) -> (0, 0)>
#map1 = affine_map<(d0, d1) -> (0)>
module attributes {stable_mosaic.version = 14 : i64} {
  func.func @_sc_affine_body(%arg0: i32, %arg1: i32, %arg2: memref<8192x32xf32, #tpu.memory_space<hbm>>, %arg3: memref<8192xi32, #tpu.memory_space<hbm>>, %arg4: memref<8192x32xf32, #tpu.memory_space<hbm>>, %arg5: memref<8192x32xf32, #tpu.memory_space<hbm>>, %arg6: memref<8192x32xf32, #tpu.memory_space<hbm>>, %arg7: memref<256xi32, #tpu.memory_space<vmem>>, %arg8: memref<256x32xf32, #tpu.memory_space<vmem>>, %arg9: memref<256x32xf32, #tpu.memory_space<vmem>>, %arg10: memref<256x32xf32, #tpu.memory_space<vmem>>, %arg11: memref<256x32xf32, #tpu.memory_space<vmem>>, %arg12: memref<!tpu.dma_semaphore, #tpu.memory_space<semaphore_mem>>, %arg13: memref<!tpu.dma_semaphore, #tpu.memory_space<semaphore_mem>>) attributes {dimension_semantics = [#tpu.dimension_semantics<core_parallel>, #tpu.dimension_semantics<subcore_parallel>], iteration_bounds = array<i64: 2, 16>, scalar_prefetch = 0 : i64, scratch_operands = 7 : i64, tpu.core_type = #tpu.core_type<sc_vector_subcore>, window_params = [{transform_indices = #map}, {transform_indices = #map1}, {transform_indices = #map}, {transform_indices = #map}, {transform_indices = #map}]} {
    %mul3A = arith.constant 2 : i32
    %mul3A_0 = arith.muli %arg1, %mul3A : i32
    %add3A = arith.addi %mul3A_0, %arg0 : i32
    %mul3A_1 = arith.constant 256 : i32
    %mul3A_2 = arith.muli %add3A, %mul3A_1 : i32
    "tpu.region"() ({
      %run_scoped3A = tpu.sem_alloc : memref<!tpu.dma_semaphore, #tpu.memory_space<semaphore_mem>>
      %dma_start3A_19 = tpu.memref_slice %arg3[%mul3A_2] : memref<8192xi32, #tpu.memory_space<hbm>> -> memref<256xi32, #tpu.memory_space<hbm>>
      %dma_start3A_20 = tpu.memref_slice %arg3[%mul3A_2] : memref<8192xi32, #tpu.memory_space<hbm>> -> memref<256xi32, #tpu.memory_space<hbm>>
      tpu.enqueue_dma source(%dma_start3A_20 : memref<256xi32, #tpu.memory_space<hbm>>) target(%arg7 : memref<256xi32, #tpu.memory_space<vmem>>) target_semaphore(%run_scoped3A : memref<!tpu.dma_semaphore, #tpu.memory_space<semaphore_mem>>)
      %dma_wait3A_21 = tpu.memref_slice %arg3[%mul3A_2] : memref<8192xi32, #tpu.memory_space<hbm>> -> memref<256xi32, #tpu.memory_space<hbm>>
      %dma_wait3A_22 = tpu.memref_slice %arg3[%mul3A_2] : memref<8192xi32, #tpu.memory_space<hbm>> -> memref<256xi32, #tpu.memory_space<hbm>>
      tpu.wait_dma2 semaphore(%run_scoped3A : memref<!tpu.dma_semaphore, #tpu.memory_space<semaphore_mem>>) src(%dma_wait3A_22 : memref<256xi32, #tpu.memory_space<hbm>>) dst(%arg7 : memref<256xi32, #tpu.memory_space<vmem>>)
      tpu.yield
    }) : () -> ()
    %dma_start3A = arith.constant 0 : i32
    %dma_start3A_3 = arith.constant 0 : i32
    %dma_start3A_4 = tpu.memref_slice %arg4[%dma_start3A, %dma_start3A_3] : memref<8192x32xf32, #tpu.memory_space<hbm>> -> memref<8192x32xf32, #tpu.memory_space<hbm>>
    tpu.enqueue_indirect_dma source(%dma_start3A_4 : memref<8192x32xf32, #tpu.memory_space<hbm>>) target(%arg8 : memref<256x32xf32, #tpu.memory_space<vmem>>) offsets(%arg7 : memref<256xi32, #tpu.memory_space<vmem>>) semaphore(%arg12 : memref<!tpu.dma_semaphore, #tpu.memory_space<semaphore_mem>>)
    %dma_start3A_5 = arith.constant 0 : i32
    %dma_start3A_6 = arith.constant 0 : i32
    %dma_start3A_7 = tpu.memref_slice %arg5[%dma_start3A_5, %dma_start3A_6] : memref<8192x32xf32, #tpu.memory_space<hbm>> -> memref<8192x32xf32, #tpu.memory_space<hbm>>
    tpu.enqueue_indirect_dma source(%dma_start3A_7 : memref<8192x32xf32, #tpu.memory_space<hbm>>) target(%arg9 : memref<256x32xf32, #tpu.memory_space<vmem>>) offsets(%arg7 : memref<256xi32, #tpu.memory_space<vmem>>) semaphore(%arg13 : memref<!tpu.dma_semaphore, #tpu.memory_space<semaphore_mem>>)
    "tpu.region"() ({
      %run_scoped3A = tpu.sem_alloc : memref<!tpu.dma_semaphore, #tpu.memory_space<semaphore_mem>>
      %dma_start3A_19 = arith.constant 0 : i32
      %dma_start3A_20 = tpu.memref_slice %arg2[%mul3A_2, %dma_start3A_19] : memref<8192x32xf32, #tpu.memory_space<hbm>> -> memref<256x32xf32, #tpu.memory_space<hbm>>
      %dma_start3A_21 = arith.constant 0 : i32
      %dma_start3A_22 = tpu.memref_slice %arg2[%mul3A_2, %dma_start3A_21] : memref<8192x32xf32, #tpu.memory_space<hbm>> -> memref<256x32xf32, #tpu.memory_space<hbm>>
      tpu.enqueue_dma source(%dma_start3A_22 : memref<256x32xf32, #tpu.memory_space<hbm>>) target(%arg10 : memref<256x32xf32, #tpu.memory_space<vmem>>) target_semaphore(%run_scoped3A : memref<!tpu.dma_semaphore, #tpu.memory_space<semaphore_mem>>)
      %dma_wait3A_23 = arith.constant 0 : i32
      %dma_wait3A_24 = tpu.memref_slice %arg2[%mul3A_2, %dma_wait3A_23] : memref<8192x32xf32, #tpu.memory_space<hbm>> -> memref<256x32xf32, #tpu.memory_space<hbm>>
      %dma_wait3A_25 = arith.constant 0 : i32
      %dma_wait3A_26 = tpu.memref_slice %arg2[%mul3A_2, %dma_wait3A_25] : memref<8192x32xf32, #tpu.memory_space<hbm>> -> memref<256x32xf32, #tpu.memory_space<hbm>>
      tpu.wait_dma2 semaphore(%run_scoped3A : memref<!tpu.dma_semaphore, #tpu.memory_space<semaphore_mem>>) src(%dma_wait3A_26 : memref<256x32xf32, #tpu.memory_space<hbm>>) dst(%arg10 : memref<256x32xf32, #tpu.memory_space<vmem>>)
      tpu.yield
    }) : () -> ()
    %dma_wait3A = arith.constant 0 : i32
    %dma_wait3A_8 = arith.constant 0 : i32
    %dma_wait3A_9 = tpu.memref_slice %arg4[%dma_wait3A, %dma_wait3A_8] : memref<8192x32xf32, #tpu.memory_space<hbm>> -> memref<8192x32xf32, #tpu.memory_space<hbm>>
    tpu.wait_indirect_dma semaphore(%arg12 : memref<!tpu.dma_semaphore, #tpu.memory_space<semaphore_mem>>) src(%dma_wait3A_9 : memref<8192x32xf32, #tpu.memory_space<hbm>>) dst(%arg8 : memref<256x32xf32, #tpu.memory_space<vmem>>)
    %dma_wait3A_10 = arith.constant 0 : i32
    %dma_wait3A_11 = arith.constant 0 : i32
    %dma_wait3A_12 = tpu.memref_slice %arg5[%dma_wait3A_10, %dma_wait3A_11] : memref<8192x32xf32, #tpu.memory_space<hbm>> -> memref<8192x32xf32, #tpu.memory_space<hbm>>
    tpu.wait_indirect_dma semaphore(%arg13 : memref<!tpu.dma_semaphore, #tpu.memory_space<semaphore_mem>>) src(%dma_wait3A_12 : memref<8192x32xf32, #tpu.memory_space<hbm>>) dst(%arg9 : memref<256x32xf32, #tpu.memory_space<vmem>>)
    %scan3A = arith.constant 0 : i32
    %scan3A_13 = arith.constant 0 : i32
    %scan3A_14 = arith.constant 256 : i32
    %scan3A_15 = arith.addi %scan3A_13, %scan3A_14 : i32
    %scan3A_16 = arith.constant 1 : i32
    %scan3A_17 = scf.for %scan3A_19 = %scan3A_13 to %scan3A_15 step %scan3A_16 iter_args(%scan3A_20 = %scan3A) -> (i32)  : i32 {
      %get3A = arith.index_cast %scan3A_19 : i32 to index
      %get3A_21 = arith.constant 0 : index
      %get3A_22 = tpu.vector_load %arg10[%get3A, %get3A_21] {strides = array<i32>} : memref<256x32xf32, #tpu.memory_space<vmem>>, vector<1x16xf32>,
      %get3A_23 = vector.shape_cast %get3A_22 : vector<1x16xf32> to vector<16xf32>
      %get3A_24 = arith.index_cast %scan3A_19 : i32 to index
      %get3A_25 = arith.constant 0 : index
      %get3A_26 = tpu.vector_load %arg8[%get3A_24, %get3A_25] {strides = array<i32>} : memref<256x32xf32, #tpu.memory_space<vmem>>, vector<1x16xf32>,
      %get3A_27 = vector.shape_cast %get3A_26 : vector<1x16xf32> to vector<16xf32>
      %mul3A_28 = arith.mulf %get3A_23, %get3A_27 : vector<16xf32>
      %get3A_29 = arith.index_cast %scan3A_19 : i32 to index
      %get3A_30 = arith.constant 0 : index
      %get3A_31 = tpu.vector_load %arg9[%get3A_29, %get3A_30] {strides = array<i32>} : memref<256x32xf32, #tpu.memory_space<vmem>>, vector<1x16xf32>,
      %get3A_32 = vector.shape_cast %get3A_31 : vector<1x16xf32> to vector<16xf32>
      %add3A_33 = arith.addf %mul3A_28, %get3A_32 : vector<16xf32>
      %swap3A = arith.index_cast %scan3A_19 : i32 to index
      %swap3A_34 = arith.constant 0 : index
      %swap3A_35 = tpu.vector_load %arg11[%swap3A, %swap3A_34] {strides = array<i32>} : memref<256x32xf32, #tpu.memory_space<vmem>>, vector<1x16xf32>,
      %swap3A_36 = vector.shape_cast %swap3A_35 : vector<1x16xf32> to vector<16xf32>
      %swap3A_37 = vector.shape_cast %add3A_33 : vector<16xf32> to vector<1x16xf32>
      tpu.vector_store %arg11[%swap3A, %swap3A_34], %swap3A_37 {strides = array<i32>} : memref<256x32xf32, #tpu.memory_space<vmem>>, vector<1x16xf32>,
      %get3A_38 = arith.index_cast %scan3A_19 : i32 to index
      %get3A_39 = arith.constant 16 : index
      %get3A_40 = tpu.vector_load %arg10[%get3A_38, %get3A_39] {strides = array<i32>} : memref<256x32xf32, #tpu.memory_space<vmem>>, vector<1x16xf32>,
      %get3A_41 = vector.shape_cast %get3A_40 : vector<1x16xf32> to vector<16xf32>
      %get3A_42 = arith.index_cast %scan3A_19 : i32 to index
      %get3A_43 = arith.constant 16 : index
      %get3A_44 = tpu.vector_load %arg8[%get3A_42, %get3A_43] {strides = array<i32>} : memref<256x32xf32, #tpu.memory_space<vmem>>, vector<1x16xf32>,
      %get3A_45 = vector.shape_cast %get3A_44 : vector<1x16xf32> to vector<16xf32>
      %mul3A_46 = arith.mulf %get3A_41, %get3A_45 : vector<16xf32>
      %get3A_47 = arith.index_cast %scan3A_19 : i32 to index
      %get3A_48 = arith.constant 16 : index
      %get3A_49 = tpu.vector_load %arg9[%get3A_47, %get3A_48] {strides = array<i32>} : memref<256x32xf32, #tpu.memory_space<vmem>>, vector<1x16xf32>,
      %get3A_50 = vector.shape_cast %get3A_49 : vector<1x16xf32> to vector<16xf32>
      %add3A_51 = arith.addf %mul3A_46, %get3A_50 : vector<16xf32>
      %swap3A_52 = arith.index_cast %scan3A_19 : i32 to index
      %swap3A_53 = arith.constant 16 : index
      %swap3A_54 = tpu.vector_load %arg11[%swap3A_52, %swap3A_53] {strides = array<i32>} : memref<256x32xf32, #tpu.memory_space<vmem>>, vector<1x16xf32>,
      %swap3A_55 = vector.shape_cast %swap3A_54 : vector<1x16xf32> to vector<16xf32>
      %swap3A_56 = vector.shape_cast %add3A_51 : vector<16xf32> to vector<1x16xf32>
      tpu.vector_store %arg11[%swap3A_52, %swap3A_53], %swap3A_56 {strides = array<i32>} : memref<256x32xf32, #tpu.memory_space<vmem>>, vector<1x16xf32>,
      %scan3A_57 = arith.constant 0 : i32
      scf.yield %scan3A_57 : i32
    }
    %scan3A_18 = arith.constant 256 : i32
    "tpu.region"() ({
      %run_scoped3A = tpu.sem_alloc : memref<!tpu.dma_semaphore, #tpu.memory_space<semaphore_mem>>
      %dma_start3A_19 = arith.constant 0 : i32
      %dma_start3A_20 = tpu.memref_slice %arg6[%mul3A_2, %dma_start3A_19] : memref<8192x32xf32, #tpu.memory_space<hbm>> -> memref<256x32xf32, #tpu.memory_space<hbm>>
      %dma_start3A_21 = arith.constant 0 : i32
      %dma_start3A_22 = tpu.memref_slice %arg6[%mul3A_2, %dma_start3A_21] : memref<8192x32xf32, #tpu.memory_space<hbm>> -> memref<256x32xf32, #tpu.memory_space<hbm>>
      tpu.enqueue_dma source(%arg11 : memref<256x32xf32, #tpu.memory_space<vmem>>) target(%dma_start3A_22 : memref<256x32xf32, #tpu.memory_space<hbm>>) target_semaphore(%run_scoped3A : memref<!tpu.dma_semaphore, #tpu.memory_space<semaphore_mem>>)
      %dma_wait3A_23 = arith.constant 0 : i32
      %dma_wait3A_24 = tpu.memref_slice %arg6[%mul3A_2, %dma_wait3A_23] : memref<8192x32xf32, #tpu.memory_space<hbm>> -> memref<256x32xf32, #tpu.memory_space<hbm>>
      %dma_wait3A_25 = arith.constant 0 : i32
      %dma_wait3A_26 = tpu.memref_slice %arg6[%mul3A_2, %dma_wait3A_25] : memref<8192x32xf32, #tpu.memory_space<hbm>> -> memref<256x32xf32, #tpu.memory_space<hbm>>
      tpu.wait_dma2 semaphore(%run_scoped3A : memref<!tpu.dma_semaphore, #tpu.memory_space<semaphore_mem>>) src(%arg11 : memref<256x32xf32, #tpu.memory_space<vmem>>) dst(%dma_wait3A_26 : memref<256x32xf32, #tpu.memory_space<hbm>>)
      tpu.yield
    }) : () -> ()
    return
  }
}

module attributes {stable_mosaic.version = 14 : i64} {
  func.func @_ln_argmin_body(%arg0: i32, %arg1: memref<512x32xf32, #tpu.memory_space<vmem>>, %arg2: memref<32x8192xf32, #tpu.memory_space<vmem>>, %arg3: memref<512x32xf32, #tpu.memory_space<vmem>>, %arg4: memref<512x1xi32, #tpu.memory_space<vmem>>, %arg5: memref<1x8192xf32, #tpu.memory_space<vmem>>) attributes {dimension_semantics = [#tpu.dimension_semantics<arbitrary>], iteration_bounds = array<i64: 16>, scalar_prefetch = 0 : i64, scratch_operands = 1 : i64, tpu.core_type = #tpu.core_type<tc>, window_params = [{transform_indices = @transform_0, window_bounds = array<i64: 512, 32>}, {pipeline_mode = #tpu.pipeline_mode<synchronous>, transform_indices = @transform_1, window_bounds = array<i64: 32, 8192>}, {transform_indices = @transform_2, window_bounds = array<i64: 512, 32>}, {transform_indices = @transform_3, window_bounds = array<i64: 512, 1>}]} {
    %eq3A = arith.constant 0 : i32
    %eq3A_0 = arith.cmpi eq, %arg0, %eq3A : i32
    %convert_element_type3A = arith.extui %eq3A_0 : i1 to i32
    %cond3A = arith.constant 0 : i32
    %cond3A_1 = arith.cmpi ne, %convert_element_type3A, %cond3A : i32
    scf.if %cond3A_1 {
      %get3A_148 = arith.constant 0 : index
      %get3A_149 = arith.constant 0 : index
      %get3A_150 = vector.load %arg2[%get3A_148, %get3A_149] : memref<32x8192xf32, #tpu.memory_space<vmem>>, vector<32x8192xf32>
      %mul3A_151 = arith.mulf %get3A_150, %get3A_150 : vector<32x8192xf32>
      %reduce_sum3A_152 = arith.constant dense<0.000000e+00> : vector<8192xf32>
      %reduce_sum3A_153 = vector.multi_reduction <add>, %mul3A_151, %reduce_sum3A_152 [0] : vector<32x8192xf32> to vector<8192xf32>
      %broadcast_in_dim3A_154 = vector.shape_cast %reduce_sum3A_153 : vector<8192xf32> to vector<1x8192xf32>
      %swap3A_155 = arith.constant 0 : index
      %swap3A_156 = arith.constant 0 : index
      %swap3A_157 = vector.load %arg5[%swap3A_155, %swap3A_156] : memref<1x8192xf32, #tpu.memory_space<vmem>>, vector<1x8192xf32>
      tpu.vector_store %arg5[%swap3A_155, %swap3A_156], %broadcast_in_dim3A_154 {strides = array<i32>} : memref<1x8192xf32, #tpu.memory_space<vmem>>, vector<1x8192xf32>,
    } else {
    }
    %get3A = arith.constant 0 : index
    %get3A_2 = arith.constant 0 : index
    %get3A_3 = vector.load %arg1[%get3A, %get3A_2] : memref<512x32xf32, #tpu.memory_space<vmem>>, vector<512x32xf32>
    %reduce_sum3A = arith.constant dense<0.000000e+00> : vector<512xf32>
    %reduce_sum3A_4 = vector.multi_reduction <add>, %get3A_3, %reduce_sum3A [1] : vector<512x32xf32> to vector<512xf32>
    %broadcast_in_dim3A = vector.shape_cast %reduce_sum3A_4 : vector<512xf32> to vector<512x1xf32>
    %div3A = arith.constant 3.200000e+01 : f32
    %div3A_5 = vector.broadcast %div3A : f32 to vector<512x1xf32>
    %div3A_6 = arith.divf %broadcast_in_dim3A, %div3A_5 : vector<512x1xf32>
    %sub3A = vector.broadcast %div3A_6 : vector<512x1xf32> to vector<512x32xf32>
    %sub3A_7 = arith.subf %get3A_3, %sub3A : vector<512x32xf32>
    %square3A = arith.mulf %sub3A_7, %sub3A_7 : vector<512x32xf32>
    %reduce_sum3A_8 = arith.constant dense<0.000000e+00> : vector<512xf32>
    %reduce_sum3A_9 = vector.multi_reduction <add>, %square3A, %reduce_sum3A_8 [1] : vector<512x32xf32> to vector<512xf32>
    %broadcast_in_dim3A_10 = vector.shape_cast %reduce_sum3A_9 : vector<512xf32> to vector<512x1xf32>
    %div3A_11 = arith.constant 3.200000e+01 : f32
    %div3A_12 = vector.broadcast %div3A_11 : f32 to vector<512x1xf32>
    %div3A_13 = arith.divf %broadcast_in_dim3A_10, %div3A_12 : vector<512x1xf32>
    %add3A = arith.constant 9.99999974E-6 : f32
    %add3A_14 = vector.broadcast %add3A : f32 to vector<512x1xf32>
    %add3A_15 = arith.addf %div3A_13, %add3A_14 : vector<512x1xf32>
    %sqrt3A = math.sqrt %add3A_15 : vector<512x1xf32>
    %div3A_16 = vector.broadcast %sqrt3A : vector<512x1xf32> to vector<512x32xf32>
    %div3A_17 = arith.divf %sub3A_7, %div3A_16 : vector<512x32xf32>
    %swap3A = arith.constant 0 : index
    %swap3A_18 = arith.constant 0 : index
    %swap3A_19 = vector.load %arg3[%swap3A, %swap3A_18] : memref<512x32xf32, #tpu.memory_space<vmem>>, vector<512x32xf32>
    tpu.vector_store %arg3[%swap3A, %swap3A_18], %div3A_17 {strides = array<i32>} : memref<512x32xf32, #tpu.memory_space<vmem>>, vector<512x32xf32>,
    %mul3A = arith.mulf %get3A_3, %get3A_3 : vector<512x32xf32>
    %reduce_sum3A_20 = arith.constant dense<0.000000e+00> : vector<512xf32>
    %reduce_sum3A_21 = vector.multi_reduction <add>, %mul3A, %reduce_sum3A_20 [1] : vector<512x32xf32> to vector<512xf32>
    %broadcast_in_dim3A_22 = vector.shape_cast %reduce_sum3A_21 : vector<512xf32> to vector<512x1xf32>
    %get3A_23 = arith.constant 0 : index
    %get3A_24 = arith.constant 0 : index
    %get3A_25 = vector.load %arg2[%get3A_23, %get3A_24] : memref<32x8192xf32, #tpu.memory_space<vmem>>, vector<32x2048xf32>
    %dot_general3A = arith.constant dense<0.000000e+00> : vector<512x2048xf32>
    %dot_general3A_26 = tpu.matmul %get3A_3, %get3A_25, %dot_general3A {dimension_numbers = #tpu.dot_dimension_numbers<[1], [0], [0], [1], [0, 0, 1, 1], [], []>, transpose_lhs_hint = false} : vector<512x32xf32>, vector<32x2048xf32>, vector<512x2048xf32> -> vector<512x2048xf32>
    %broadcast_in_dim3A_27 = arith.constant 0x7F800000 : f32
    %broadcast_in_dim3A_28 = vector.broadcast %broadcast_in_dim3A_27 : f32 to vector<512x1xf32>
    %broadcast_in_dim3A_29 = arith.constant 0 : i32
    %broadcast_in_dim3A_30 = vector.broadcast %broadcast_in_dim3A_29 : i32 to vector<512x1xi32>
    %get3A_31 = arith.constant 0 : index
    %get3A_32 = arith.constant 2048 : index
    %get3A_33 = vector.load %arg2[%get3A_31, %get3A_32] : memref<32x8192xf32, #tpu.memory_space<vmem>>, vector<32x2048xf32>
    %dot_general3A_34 = arith.constant dense<0.000000e+00> : vector<512x2048xf32>
    %dot_general3A_35 = tpu.matmul %get3A_3, %get3A_33, %dot_general3A_34 {dimension_numbers = #tpu.dot_dimension_numbers<[1], [0], [0], [1], [0, 0, 1, 1], [], []>, transpose_lhs_hint = false} : vector<512x32xf32>, vector<32x2048xf32>, vector<512x2048xf32> -> vector<512x2048xf32>
    %get3A_36 = arith.constant 0 : index
    %get3A_37 = arith.constant 0 : index
    %get3A_38 = vector.load %arg5[%get3A_36, %get3A_37] : memref<1x8192xf32, #tpu.memory_space<vmem>>, vector<1x2048xf32>
    %mul3A_39 = arith.constant 2.000000e+00 : f32
    %mul3A_40 = vector.broadcast %mul3A_39 : f32 to vector<512x2048xf32>
    %mul3A_41 = arith.mulf %mul3A_40, %dot_general3A_26 : vector<512x2048xf32>
    %sub3A_42 = vector.broadcast %broadcast_in_dim3A_22 : vector<512x1xf32> to vector<512x2048xf32>
    %sub3A_43 = arith.subf %sub3A_42, %mul3A_41 : vector<512x2048xf32>
    %add3A_44 = vector.broadcast %get3A_38 : vector<1x2048xf32> to vector<512x2048xf32>
    %add3A_45 = arith.addf %sub3A_43, %add3A_44 : vector<512x2048xf32>
    %max3A = arith.constant 0.000000e+00 : f32
    %max3A_46 = vector.broadcast %max3A : f32 to vector<512x2048xf32>
    %max3A_47 = arith.maximumf %add3A_45, %max3A_46 : vector<512x2048xf32>
    %reduce_min3A = arith.constant dense<0x7F800000> : vector<512xf32>
    %reduce_min3A_48 = vector.multi_reduction <minimumf>, %max3A_47, %reduce_min3A [1] : vector<512x2048xf32> to vector<512xf32>
    %broadcast_in_dim3A_49 = vector.shape_cast %reduce_min3A_48 : vector<512xf32> to vector<512x1xf32>
    %argmin3A = tpu.reduce_index %max3A_47 {axis = 1 : i32, kind = #tpu.reduction_kind<arg_min>} : vector<512x2048xf32> -> vector<512xi32>
    %reshape3A = vector.shape_cast %argmin3A : vector<512xi32> to vector<512x1xi32>
    %add3A_50 = arith.constant 0 : i32
    %add3A_51 = vector.broadcast %add3A_50 : i32 to vector<512x1xi32>
    %add3A_52 = arith.addi %reshape3A, %add3A_51 : vector<512x1xi32>
    %sqrt3A_53 = math.sqrt %broadcast_in_dim3A_49 : vector<512x1xf32>
    %lt3A = arith.cmpf olt, %sqrt3A_53, %broadcast_in_dim3A_28 : vector<512x1xf32>
    %select_n3A = arith.select %lt3A, %sqrt3A_53, %broadcast_in_dim3A_28 : vector<512x1xi1>, vector<512x1xf32>
    %convert_element_type3A_54 = arith.truncf %select_n3A : vector<512x1xf32> to vector<512x1xbf16>
    %convert_element_type3A_55 = arith.extf %convert_element_type3A_54 : vector<512x1xbf16> to vector<512x1xf32>
    %select_n3A_56 = arith.select %lt3A, %add3A_52, %broadcast_in_dim3A_30 : vector<512x1xi1>, vector<512x1xi32>
    %get3A_57 = arith.constant 0 : index
    %get3A_58 = arith.constant 4096 : index
    %get3A_59 = vector.load %arg2[%get3A_57, %get3A_58] : memref<32x8192xf32, #tpu.memory_space<vmem>>, vector<32x2048xf32>
    %dot_general3A_60 = arith.constant dense<0.000000e+00> : vector<512x2048xf32>
    %dot_general3A_61 = tpu.matmul %get3A_3, %get3A_59, %dot_general3A_60 {dimension_numbers = #tpu.dot_dimension_numbers<[1], [0], [0], [1], [0, 0, 1, 1], [], []>, transpose_lhs_hint = false} : vector<512x32xf32>, vector<32x2048xf32>, vector<512x2048xf32> -> vector<512x2048xf32>
    %get3A_62 = arith.constant 0 : index
    %get3A_63 = arith.constant 2048 : index
    %get3A_64 = vector.load %arg5[%get3A_62, %get3A_63] : memref<1x8192xf32, #tpu.memory_space<vmem>>, vector<1x2048xf32>
    %mul3A_65 = arith.constant 2.000000e+00 : f32
    %mul3A_66 = vector.broadcast %mul3A_65 : f32 to vector<512x2048xf32>
    %mul3A_67 = arith.mulf %mul3A_66, %dot_general3A_35 : vector<512x2048xf32>
    %sub3A_68 = vector.broadcast %broadcast_in_dim3A_22 : vector<512x1xf32> to vector<512x2048xf32>
    %sub3A_69 = arith.subf %sub3A_68, %mul3A_67 : vector<512x2048xf32>
    %add3A_70 = vector.broadcast %get3A_64 : vector<1x2048xf32> to vector<512x2048xf32>
    %add3A_71 = arith.addf %sub3A_69, %add3A_70 : vector<512x2048xf32>
    %max3A_72 = arith.constant 0.000000e+00 : f32
    %max3A_73 = vector.broadcast %max3A_72 : f32 to vector<512x2048xf32>
    %max3A_74 = arith.maximumf %add3A_71, %max3A_73 : vector<512x2048xf32>
    %reduce_min3A_75 = arith.constant dense<0x7F800000> : vector<512xf32>
    %reduce_min3A_76 = vector.multi_reduction <minimumf>, %max3A_74, %reduce_min3A_75 [1] : vector<512x2048xf32> to vector<512xf32>
    %broadcast_in_dim3A_77 = vector.shape_cast %reduce_min3A_76 : vector<512xf32> to vector<512x1xf32>
    %argmin3A_78 = tpu.reduce_index %max3A_74 {axis = 1 : i32, kind = #tpu.reduction_kind<arg_min>} : vector<512x2048xf32> -> vector<512xi32>
    %reshape3A_79 = vector.shape_cast %argmin3A_78 : vector<512xi32> to vector<512x1xi32>
    %add3A_80 = arith.constant 2048 : i32
    %add3A_81 = vector.broadcast %add3A_80 : i32 to vector<512x1xi32>
    %add3A_82 = arith.addi %reshape3A_79, %add3A_81 : vector<512x1xi32>
    %sqrt3A_83 = math.sqrt %broadcast_in_dim3A_77 : vector<512x1xf32>
    %lt3A_84 = arith.cmpf olt, %sqrt3A_83, %convert_element_type3A_55 : vector<512x1xf32>
    %select_n3A_85 = arith.select %lt3A_84, %sqrt3A_83, %convert_element_type3A_55 : vector<512x1xi1>, vector<512x1xf32>
    %convert_element_type3A_86 = arith.truncf %select_n3A_85 : vector<512x1xf32> to vector<512x1xbf16>
    %convert_element_type3A_87 = arith.extf %convert_element_type3A_86 : vector<512x1xbf16> to vector<512x1xf32>
    %select_n3A_88 = arith.select %lt3A_84, %add3A_82, %select_n3A_56 : vector<512x1xi1>, vector<512x1xi32>
    %get3A_89 = arith.constant 0 : index
    %get3A_90 = arith.constant 6144 : index
    %get3A_91 = vector.load %arg2[%get3A_89, %get3A_90] : memref<32x8192xf32, #tpu.memory_space<vmem>>, vector<32x2048xf32>
    %dot_general3A_92 = arith.constant dense<0.000000e+00> : vector<512x2048xf32>
    %dot_general3A_93 = tpu.matmul %get3A_3, %get3A_91, %dot_general3A_92 {dimension_numbers = #tpu.dot_dimension_numbers<[1], [0], [0], [1], [0, 0, 1, 1], [], []>, transpose_lhs_hint = false} : vector<512x32xf32>, vector<32x2048xf32>, vector<512x2048xf32> -> vector<512x2048xf32>
    %get3A_94 = arith.constant 0 : index
    %get3A_95 = arith.constant 4096 : index
    %get3A_96 = vector.load %arg5[%get3A_94, %get3A_95] : memref<1x8192xf32, #tpu.memory_space<vmem>>, vector<1x2048xf32>
    %mul3A_97 = arith.constant 2.000000e+00 : f32
    %mul3A_98 = vector.broadcast %mul3A_97 : f32 to vector<512x2048xf32>
    %mul3A_99 = arith.mulf %mul3A_98, %dot_general3A_61 : vector<512x2048xf32>
    %sub3A_100 = vector.broadcast %broadcast_in_dim3A_22 : vector<512x1xf32> to vector<512x2048xf32>
    %sub3A_101 = arith.subf %sub3A_100, %mul3A_99 : vector<512x2048xf32>
    %add3A_102 = vector.broadcast %get3A_96 : vector<1x2048xf32> to vector<512x2048xf32>
    %add3A_103 = arith.addf %sub3A_101, %add3A_102 : vector<512x2048xf32>
    %max3A_104 = arith.constant 0.000000e+00 : f32
    %max3A_105 = vector.broadcast %max3A_104 : f32 to vector<512x2048xf32>
    %max3A_106 = arith.maximumf %add3A_103, %max3A_105 : vector<512x2048xf32>
    %reduce_min3A_107 = arith.constant dense<0x7F800000> : vector<512xf32>
    %reduce_min3A_108 = vector.multi_reduction <minimumf>, %max3A_106, %reduce_min3A_107 [1] : vector<512x2048xf32> to vector<512xf32>
    %broadcast_in_dim3A_109 = vector.shape_cast %reduce_min3A_108 : vector<512xf32> to vector<512x1xf32>
    %argmin3A_110 = tpu.reduce_index %max3A_106 {axis = 1 : i32, kind = #tpu.reduction_kind<arg_min>} : vector<512x2048xf32> -> vector<512xi32>
    %reshape3A_111 = vector.shape_cast %argmin3A_110 : vector<512xi32> to vector<512x1xi32>
    %add3A_112 = arith.constant 4096 : i32
    %add3A_113 = vector.broadcast %add3A_112 : i32 to vector<512x1xi32>
    %add3A_114 = arith.addi %reshape3A_111, %add3A_113 : vector<512x1xi32>
    %sqrt3A_115 = math.sqrt %broadcast_in_dim3A_109 : vector<512x1xf32>
    %lt3A_116 = arith.cmpf olt, %sqrt3A_115, %convert_element_type3A_87 : vector<512x1xf32>
    %select_n3A_117 = arith.select %lt3A_116, %sqrt3A_115, %convert_element_type3A_87 : vector<512x1xi1>, vector<512x1xf32>
    %convert_element_type3A_118 = arith.truncf %select_n3A_117 : vector<512x1xf32> to vector<512x1xbf16>
    %convert_element_type3A_119 = arith.extf %convert_element_type3A_118 : vector<512x1xbf16> to vector<512x1xf32>
    %select_n3A_120 = arith.select %lt3A_116, %add3A_114, %select_n3A_88 : vector<512x1xi1>, vector<512x1xi32>
    %get3A_121 = arith.constant 0 : index
    %get3A_122 = arith.constant 6144 : index
    %get3A_123 = vector.load %arg5[%get3A_121, %get3A_122] : memref<1x8192xf32, #tpu.memory_space<vmem>>, vector<1x2048xf32>
    %mul3A_124 = arith.constant 2.000000e+00 : f32
    %mul3A_125 = vector.broadcast %mul3A_124 : f32 to vector<512x2048xf32>
    %mul3A_126 = arith.mulf %mul3A_125, %dot_general3A_93 : vector<512x2048xf32>
    %sub3A_127 = vector.broadcast %broadcast_in_dim3A_22 : vector<512x1xf32> to vector<512x2048xf32>
    %sub3A_128 = arith.subf %sub3A_127, %mul3A_126 : vector<512x2048xf32>
    %add3A_129 = vector.broadcast %get3A_123 : vector<1x2048xf32> to vector<512x2048xf32>
    %add3A_130 = arith.addf %sub3A_128, %add3A_129 : vector<512x2048xf32>
    %max3A_131 = arith.constant 0.000000e+00 : f32
    %max3A_132 = vector.broadcast %max3A_131 : f32 to vector<512x2048xf32>
    %max3A_133 = arith.maximumf %add3A_130, %max3A_132 : vector<512x2048xf32>
    %reduce_min3A_134 = arith.constant dense<0x7F800000> : vector<512xf32>
    %reduce_min3A_135 = vector.multi_reduction <minimumf>, %max3A_133, %reduce_min3A_134 [1] : vector<512x2048xf32> to vector<512xf32>
    %broadcast_in_dim3A_136 = vector.shape_cast %reduce_min3A_135 : vector<512xf32> to vector<512x1xf32>
    %argmin3A_137 = tpu.reduce_index %max3A_133 {axis = 1 : i32, kind = #tpu.reduction_kind<arg_min>} : vector<512x2048xf32> -> vector<512xi32>
    %reshape3A_138 = vector.shape_cast %argmin3A_137 : vector<512xi32> to vector<512x1xi32>
    %add3A_139 = arith.constant 6144 : i32
    %add3A_140 = vector.broadcast %add3A_139 : i32 to vector<512x1xi32>
    %add3A_141 = arith.addi %reshape3A_138, %add3A_140 : vector<512x1xi32>
    %sqrt3A_142 = math.sqrt %broadcast_in_dim3A_136 : vector<512x1xf32>
    %lt3A_143 = arith.cmpf olt, %sqrt3A_142, %convert_element_type3A_119 : vector<512x1xf32>
    %select_n3A_144 = arith.select %lt3A_143, %add3A_141, %select_n3A_120 : vector<512x1xi1>, vector<512x1xi32>
    %swap3A_145 = arith.constant 0 : index
    %swap3A_146 = arith.constant 0 : index
    %swap3A_147 = vector.load %arg4[%swap3A_145, %swap3A_146] : memref<512x1xi32, #tpu.memory_space<vmem>>, vector<512x1xi32>
    tpu.vector_store %arg4[%swap3A_145, %swap3A_146], %select_n3A_144 {strides = array<i32>} : memref<512x1xi32, #tpu.memory_space<vmem>>, vector<512x1xi32>,
    return
  }
  func.func @transform_0(%arg0: i32) -> (i32, i32) {
    %c0_i32 = arith.constant 0 : i32
    %c0_i32_0 = arith.constant 0 : i32
    return %arg0, %c0_i32 : i32, i32
  }
  func.func @transform_1(%arg0: i32) -> (i32, i32) {
    %c0_i32 = arith.constant 0 : i32
    %c0_i32_0 = arith.constant 0 : i32
    %c0_i32_1 = arith.constant 0 : i32
    return %c0_i32, %c0_i32_0 : i32, i32
  }
  func.func @transform_2(%arg0: i32) -> (i32, i32) {
    %c0_i32 = arith.constant 0 : i32
    %c0_i32_0 = arith.constant 0 : i32
    return %arg0, %c0_i32 : i32, i32
  }
  func.func @transform_3(%arg0: i32) -> (i32, i32) {
    %c0_i32 = arith.constant 0 : i32
    %c0_i32_0 = arith.constant 0 : i32
    return %arg0, %c0_i32 : i32, i32
  }
}

</mosaic_0001>

<sc_bundles>
// kernel: kernel.4.cloned.1.call-start
scs
__scs_entry_jumppad:
0x0: {  	(pc) =	sbr.rel $0x88, $3  }
0x1: {  	(tag) =	ssettag $0x0;
	lr =	simm.s32 $0x1  }
0x2: {  	[smem:$0x3F9D] =	sst lr;
	_ =	strace $0xD0000000  }
0x3: {  	_ = 	snop  }
0x4: {  	_ = 	snop  }
0x5: {  	_ = 	snop  }
0x6: {  	_ = 	snop  }
0x7: {  	_ = 	snop  }
__scs_overlays_trampoline_lowered:
0x8: {  	[smem:$0x3FAC] =	sst s0  }
0x9: {  	[smem:$0x3FAD] =	sst s1  }
0xa: {  	[smem:$0x3FAE] =	sst s2  }
0xb: {  	[smem:$0x3FAF] =	sst s3  }
0xc: {  	[smem:$0x3FB0] =	sst s4  }
0xd: {  	[smem:$0x3FB1] =	sst s5  }
0xe: {  	[smem:$0x3FB2] =	sst s6  }
0xf: {  	[smem:$0x3FB3] =	sst s7  }
0x10: {  	[smem:$0x3FB4] =	sst s8  }
0x11: {  	[smem:$0x3FB5] =	sst s9;
	s0 =	simm.s32 @!p0 $0x0  }
0x12: {  	s1 =	sld [smem:$0x3F9B];
	s0 =	simm.s32 @p0 $0x1  }
0x13: {  	[smem:$0x3FB6] =	sst s0;
	s0 =	simm.s32 @!p1 $0x0  }
0x14: {  	s2 =	sld [smem:$0x3F9A];
	s0 =	simm.s32 @p1 $0x1  }
0x15: {  	[smem:$0x3FB7] =	sst s0;
	s0 =	simm.s32 @!p2 $0x0  }
0x16: {  	s3 =	sld [smem:$0x3FDB];
	s0 =	simm.s32 @p2 $0x1  }
0x17: {  	s4 =	simm.s32 $0x1BF5;
	[smem:$0x3FB9] =	sst s0  }
0x18: {  	s0 =	sld [smem:$0x3F9C];
	_ =	swait.ge [sflag:s4], $0x0  }
0x19: {  	s7 =	sld [smem:$0x3F9D]  }
0x1a: {  	s8 =	sadd.s32 $0xFFFFE003, lr  }
0x1b: {  	s9 =	sadd.s32 $0xFFFFFEF7, lr;
	s5 =	simm.s32 $0xFFFFFFFF;
	p2 =	slt.u32 s8, $0xFFFFF086  }
0x1c: {  	p1 =	slt.u32 s9, $0xF7A;
	s5 =	simm.s32 @!p2 $0x0  }
0x1d: {  	s5 =	simm.s32 @p1 $0x1;
	p0 =	seq.s32 s7, s2  }
0x1e: {  	s7 =	smul.u32 @!p0 $0xF7A, s2;
	p2 =	seq.s32 @!p0 s5, $0x0  }
0x1f: {  	s9 =	smul.u32 $0xF7A, s1;
	s8 =	simm.s32 @!p0 $0x1BF5;
	p2 =	por !p2, p0  }
0x20: {  	[sflag:s8] =	ssyncset.s32 @!p0 $0xFFFFF086;
	s6 =	sadd.s32 @!p0 s3, s7;
	s7 =	simm.s32 @!p0 $0x108  }
0x21: {  	s3 =	sadd.s32 s3, s9;
	s6 =	sadd.s32 @!p0 $0x88, s6;
	s7 =	simm.s32 @p2 $0x1082  }
0x22: {  	[simem:s7], [sflag:s8] =	dma.local @!p0 [hbm:s6], $0xF7A  }
0x23: {  	s9 =	sor.u32 $0xD0000000, s2;
	s6 =	simm.s32 $0x108;
	_ =	swait.ge @!p0 [sflag:s8], $0x0  }
0x24: {  	s3 =	sadd.s32 $0x88, s3;
	s6 =	simm.s32 @!p1 $0x1082;
	[sflag:s4] =	ssyncset.s32 $0xFFFFF086  }
0x25: {  	[simem:s6], [sflag:s4] =	dma.local [hbm:s3], $0xF7A  }
0x26: {  	[smem:$0x3F9D] =	sst s1;
	(tag) =	ssettag s2;
	_ =	strace s9  }
0x27: {  	s1 =	sld [smem:$0x3FAD]  }
0x28: {  	s2 =	sld [smem:$0x3FAE]  }
0x29: {  	s4 =	sld [smem:$0x3FB0]  }
0x2a: {  	p0 =	seq.s32 s5, $0x0;
	s5 =	sld [smem:$0x3FB1]  }
0x2b: {  	s6 =	sld [smem:$0x3FB2]  }
0x2c: {  	s7 =	sld [smem:$0x3FB3]  }
0x2d: {  	s3 =	simm.s32 $0x108;
	s8 =	sld [smem:$0x3FB4]  }
0x2e: {  	s3 =	simm.s32 @!p0 $0x1082;
	s9 =	sld [smem:$0x3FB5]  }
0x2f: {  	lr =	sadd.s32 s0, s3;
	s0 =	sld [smem:$0x3FAC]  }
0x30: {  	s3 =	sld [smem:$0x3FAF]  }
0x31: {  	[smem:$0x3FB8] =	sst s10  }
0x32: {  	s10 =	sld [smem:$0x3FB6];
	_ =	sdelay $0x3  }
0x33: {  	p0 =	seq.s32 s10, $0x1;
	s10 =	sld [smem:$0x3FB8];
	_ =	sdelay $0x3  }
0x34: {  	[smem:$0x3FB8] =	sst s10  }
0x35: {  	s10 =	sld [smem:$0x3FB7];
	_ =	sdelay $0x3  }
0x36: {  	p1 =	seq.s32 s10, $0x1;
	s10 =	sld [smem:$0x3FB8];
	_ =	sdelay $0x3  }
0x37: {  	[smem:$0x3FB8] =	sst s10  }
0x38: {  	s10 =	sld [smem:$0x3FB9]  }
0x39: {  	_ = 	snop;
	(pc) =	sbr.ind lr, $3  }
0x3a: {  	_ = 	snop  }
0x3b: {  	_ = 	snop  }
0x3c: {  	p2 =	seq.s32 s10, $0x1;
	s10 =	sld [smem:$0x3FB8]  }
0x3d: {  	_ =	shalt  }
0x3e: {  	_ =	shalt  }
0x3f: {  	_ =	shalt  }
0x40: {  	_ =	shalt  }
0x41: {  	_ =	shalt  }
0x42: {  	_ =	shalt  }
0x43: {  	_ =	shalt  }
0x44: {  	_ =	shalt  }
0x45: {  	_ =	shalt  }
0x46: {  	_ =	shalt  }
0x47: {  	_ =	shalt  }
0x48: {  	_ =	shalt  }
0x49: {  	_ =	shalt  }
0x4a: {  	_ =	shalt  }
0x4b: {  	_ =	shalt  }
0x4c: {  	_ =	shalt  }
0x4d: {  	_ =	shalt  }
0x4e: {  	_ =	shalt  }
0x4f: {  	_ =	shalt  }
0x50: {  	_ =	shalt  }
0x51: {  	_ =	shalt  }
0x52: {  	_ =	shalt  }
0x53: {  	_ =	shalt  }
0x54: {  	_ =	shalt  }
0x55: {  	_ =	shalt  }
0x56: {  	_ =	shalt  }
0x57: {  	_ =	shalt  }
0x58: {  	_ =	shalt  }
0x59: {  	_ =	shalt  }
0x5a: {  	_ =	shalt  }
0x5b: {  	_ =	shalt  }
0x5c: {  	_ =	shalt  }
0x5d: {  	_ =	shalt  }
0x5e: {  	_ =	shalt  }
0x5f: {  	_ =	shalt  }
0x60: {  	_ =	shalt  }
0x61: {  	_ =	shalt  }
0x62: {  	_ =	shalt  }
0x63: {  	_ =	shalt  }
0x64: {  	_ =	shalt  }
0x65: {  	_ =	shalt  }
0x66: {  	_ =	shalt  }
0x67: {  	_ =	shalt  }
0x68: {  	_ =	shalt  }
0x69: {  	_ =	shalt  }
0x6a: {  	_ =	shalt  }
0x6b: {  	_ =	shalt  }
0x6c: {  	_ =	shalt  }
0x6d: {  	_ =	shalt  }
0x6e: {  	_ =	shalt  }
0x6f: {  	_ =	shalt  }
0x70: {  	_ =	shalt  }
0x71: {  	_ =	shalt  }
0x72: {  	_ =	shalt  }
0x73: {  	_ =	shalt  }
0x74: {  	_ =	shalt  }
0x75: {  	_ =	shalt  }
0x76: {  	_ =	shalt  }
0x77: {  	_ =	shalt  }
0x78: {  	_ =	shalt  }
0x79: {  	_ =	shalt  }
0x7a: {  	_ =	shalt  }
0x7b: {  	_ =	shalt  }
0x7c: {  	_ =	shalt  }
0x7d: {  	_ =	shalt  }
0x7e: {  	_ =	shalt  }
0x7f: {  	_ =	shalt  }
0x80: {  	_ =	shalt  }
0x81: {  	_ =	shalt  }
0x82: {  	_ =	shalt  }
0x83: {  	_ =	shalt  }
0x84: {  	_ =	shalt  }
0x85: {  	_ =	shalt  }
0x86: {  	_ =	shalt  }
0x87: {  	_ =	shalt  }
.Lfunc_end0:
.L_simem_size_0:
called_computation_lowered:
.L_overlay_start_0:
0x88: {  	s2 =	sld [smem:$0x3FD9]  }
0x89: {  	s3 =	sld [smem:$0x3FFE];
	_ =	sdelay $0x1  }
0x8a: {  	s1 =	srdreg.scid  }
0x8b: {  	s0 =	sand.u32 $0x1, s1  }
0x8c: {  	s14 =	sshll.u32 s0, $0xA;
	s2 =	sadd.s32 s3, s2  }
0x8d: {  	s2 =	sadd.s32 s2, s14  }
0x8e: {  	[smem:$0x3FC4] =	sst s2  }
0x8f: {  	_ = 	snop  }
0x90: {  	s2 =	sld [smem:$0x3FD0];
	_ =	sdelay $0x2  }
0x91: {  	s15 =	simm.s32 $0xA;
	s4 =	simm.s32 $0x10  }
0x92: {  	[smem:s4], [sflag:s15] =	dma.local [hbm:s2], $0x1  }
0x93: {  	_ =	swait.eq [sflag:s15], $0x1  }
0x94: {  	[sflag:s15] =	ssyncset.done $0x0  }
0x95: {  	[sflag:s15] =	ssyncadd.s32 $0xFFFFFFFF  }
0x96: {  	s16 =	sld [smem:$0x10];
	(tm) =	ssettm $0x1  }
0x97: {  	s17 =	sld [smem:$0x3FFB];
	_ =	sdelay $0x3  }
0x98: {  	_ =	strace s17  }
0x99: {  	s3 =	sld [smem:$0x3FFC];
	_ =	sdelay $0x3  }
0x9a: {  	_ =	strace s3  }
0x9b: {  	s3 =	sld [smem:$0x3FFD];
	_ =	sdelay $0x3  }
0x9c: {  	_ =	strace s3  }
0x9d: {  	_ =	strace $0x8FFFFFFF  }
0x9e: {  	s18 =	sld [smem:$0x3FDB];
	_ =	sdelay $0x1  }
0x9f: {  	s19 =	simm.s32 $_scs_section_size  }
0xa0: {  	s5 =	simm.s32 $_size__tile_overlayer_lowered;
	s6 =	simm.s32 $_tile_overlayer_lowered  }
0xa1: {  	s22 =	simm.s32 $0x1BFF;
	s21 =	sshll.u32 s6, $0x1;
	s3 =	sadd.s32 s19, s18  }
0xa2: {  	s7 =	simm.s32 $0x0;
	s20 =	sshll.u32 s5, $0x1;
	s5 =	sadd.s32 s21, s3  }
0xa3: {  	[timem:s7], [sflag:s22] =	dma.local [hbm:s5], s20  }
0xa4: {  	_ =	swait.ge [sflag:s22], s20  }
0xa5: {  	s4 =	ssub.s32 $0x0, s20;
	[sflag:s22] =	ssyncset.done $0x0  }
0xa6: {  	[sflag:s22] =	ssyncadd.s32 s4;
	_ =	sdelay $0x1  }
0xa7: {  	s23 =	simm.s32 $0x1B8B  }
0xa8: {  	_ =	swait.ge [sflag:s23], $0x1  }
0xa9: {  	[sflag:s23] =	ssyncset.done $0x0  }
0xaa: {  	s25 =	simm.s32 $0x1B8E;
	s24 =	sld [smem:$0x3FFE];
	[sflag:s23] =	ssyncadd.s32 $0xFFFFFFFF  }
0xab: {  	s26 =	simm.s32 $execute0_lowered;
	[smem:$0x3FD2] =	sst s25  }
0xac: {  	s5 =	sshll.u32 s26, $0x1;
	_ =	strace $0x80000046;
	[dreg:$0x1] =	wrdreg $0xFFFFFFFF  }
0xad: {  	s28 =	simm.s32 $_size_execute0_lowered;
	s3 =	sadd.s32 s3, s5;
	[dreg:$0x0] =	wrdreg $0x0  }
0xae: {  	s5 =	sshll.u32 s28, $0x1;
	[dreg:$0x2] =	wrdreg s3  }
0xaf: {  	[dreg:$0x3] =	wrdreg s5  }
0xb0: {  	[dreg:$0x4] =	wrdreg $0xC0  }
0xb1: {  	_ =	task [dreg:s7], $0x5FFFF  }
0xb2: {  	[dreg:$0x1] =	wrdreg $0xFFFFFFFF  }
0xb3: {  	[dreg:$0x0] =	wrdreg $0x60  }
0xb4: {  	[dreg:$0x2] =	wrdreg s16  }
0xb5: {  	[dreg:$0x3] =	wrdreg s24  }
0xb6: {  	[dreg:$0x4] =	wrdreg $0x9  }
0xb7: {  	_ =	task.clear_ibuf [dreg:s7], $0x5FFFF;
	_ =	strace $0x90000046  }
0xb8: {  	s29 =	simm.s32 $0x9;
	_ =	strace $0x80000048  }
0xb9: {  	_ =	swait.ge [sflag:s29], $0x1  }
0xba: {  	[sflag:s29] =	ssyncadd.s32 $0xFFFFFFFF  }
0xbb: {  	_ =	strace $0x90000048  }
0xbc: {  	_ =	sfence  }
0xbd: {  	s30 =	sld [smem:$0x0];
	_ =	sdelay $0x2  }
0xbe: {  	s31 =	sshll.u32 s1, $0xD;
	s1 =	sshrl.u32 s1, $0x2  }
0xbf: {  	s3 =	sand.u32 $0x4000, s31;
	s1 =	sadd.s32 s1, s30  }
0xc0: {  	s0 =	sor.u32 s3, s0;
	s1 =	sshll.u32 s1, $0x11  }
0xc1: {  	s0 =	sor.u32 s1, s0  }
0xc2: {  	s0 =	sadd.s32 $0x8F2B, s0  }
0xc3: {  	[sflag:s0] =	ssyncadd.remote.s32 $0x1  }
0xc4: {  	_ =	sfence.sel $0xFFFF  }
0xc5: {  	[dreg:$0x0] =	wrdreg $0xFFFFFFFF;
	(pc) =	sbr.abs _section_cstart, $3  }
0xc6: {  	[dreg:$0x1] =	wrdreg $0xFFFFFFFF  }
0xc7: {  	_ =	task.clear_ibuf [dreg:s7], $0x2FFFF;
	_ =	strace $0x9FFFFFFF  }
0xc8: {  	(tm) =	ssettm $0x7FFFFFFF  }
0xc9: {  	_ =	shalt  }
tec
execute0_lowered:
.L_overlay_start_1:
0x0: {  	(tag) =	ssettag $0x1  }
0x1: {  	s1 =	srdreg.scid  }
0x2: {  	s6 =	rddreg [dreg:$0x0];
	s0 =	stileid.u32  }
0x3: {  	s5 =	rddreg [dreg:$0x1];
	s2 =	simm.s32 $0x0;
	s12 =	simm.s32 $0x4100  }
0x4: {  	s13 =	simm.s32 $0x1;
	s14 =	simm.s32 $0x2;
	s15 =	simm.s32 $0x6100  }
0x5: {  	s16 =	simm.s32 $0x0;
	s3 =	sand.u32 $0x1, s1;
	s1 =	rddreg [dreg:$0x2]  }
0x6: {  	s4 =	sshll.u32 s0, $0x9;
	[smem:$0x7FF] =	sst s2;
	s7 =	sshll.u32 s3, $0x8  }
0x7: {  	_ =	strace $0x80000047;
	s8 =	ssub.s32 $0x2, s3;
	s4 =	sor.u32 s7, s4  }
0x8: {  	s3 =	sadd.s32 $0x8A00, s5;
	s10 =	sshrl.u32 s8, $0x1;
	s7 =	sshrl.u32 s4, $0x3  }
0x9: {  	s9 =	sshll.u32 s4, $0x2;
	s4 =	sadd.s32 $0xA00, s5;
	s8 =	ssub.s32 s8, s10  }
0xa: {  	s10 =	simm.s32 $0x100;
	s7 =	sadd.s32 s7, s5;
	s11 =	sadd.s32 s9, s5  }
0xb: {  	s6 =	sadd.s32 s6, s9;
	s8 =	smax.u32 s8, $0x1;
	s9 =	simm.s32 $0x3  }
0xc: {  	s5 =	sadd.s32 $0x10A00, s7;
	s7 =	sadd.s32 $0x10E00, s11;
	s11 =	simm.s32 $0x2100  }
.LBB2_1:
0xd: {  	[tilespmem:s2], [sflag:$0x3] =	stream.linear.gather [hbm4b:s5+s2], $0x100, $0x38;
	[tilespmem:$0x8100] =	vst v63  }
0xe: {  	_ =	swait.ge [sflag:s9], $0x100  }
0xf: {  	[sflag:s9] =	ssyncset.done $0x0  }
0x10: {  	[sflag:s9] =	ssyncadd.s32 $0xFFFFFF00  }
0x11: {  	[tilespmem:s10], [sflag:$0x1] =	stream.indirect.gather [hbm4b:s3+s10], $0x20, s2, s10, $0xb8;
	[tilespmem:$0x8100] =	vst v63  }
0x12: {  	_ = 	snop  }
0x13: {  	[tilespmem:s11], [sflag:$0x2] =	stream.indirect.gather [hbm4b:s4+s10], $0x20, s2, s10, $0xb8;
	[tilespmem:$0x8100] =	vst v63  }
0x14: {  	_ = 	snop  }
0x15: {  	[tilespmem:s12], [sflag:$0x3] =	stream.linear.gather [hbm4b:s6+s2], $0x2000, $0x38;
	[tilespmem:$0x8100] =	vst v63  }
0x16: {  	_ =	swait.ge [sflag:s9], $0x2000  }
0x17: {  	[sflag:s9] =	ssyncset.done $0x0  }
0x18: {  	[sflag:s9] =	ssyncadd.s32 $0xFFFFE000  }
0x19: {  	_ =	swait.ge [sflag:s13], $0x2000  }
0x1a: {  	[sflag:s13] =	ssyncset.done $0x0  }
0x1b: {  	[sflag:s13] =	ssyncadd.s32 $0xFFFFE000  }
0x1c: {  	_ =	swait.ge [sflag:s14], $0x2000  }
0x1d: {  	[sflag:s14] =	ssyncset.done $0x0  }
0x1e: {  	s17 =	simm.s32 $0x0;
	[sflag:s14] =	ssyncadd.s32 $0xFFFFE000  }
0x1f: {  	v2 =	vld [tilespmem:s17+$0x4110]  }
0x20: {  	v3 =	vld [tilespmem:s17+$0x110]  }
0x21: {  	v6 =	vld [tilespmem:s17+$0x4100]  }
0x22: {  	v5 =	vld [tilespmem:s17+$0x2110]  }
0x23: {  	v7 =	vld [tilespmem:s17+$0x100]  }
0x24: {  	s18 =	simm.s32 $0x20;
	v0 =	vld [tilespmem:s17+$0x2100]  }
0x25: {  	v1 =	vld [tilespmem:s18+$0x4110];
	v2 =	vmul.f32 v3, v2  }
0x26: {  	v3 =	vld [tilespmem:s18+$0x110]  }
0x27: {  	v4 =	vld [tilespmem:s18+$0x4100];
	v8 =	vadd.f32 v5, v2  }
0x28: {  	v6 =	vmul.f32 v7, v6;
	v2 =	vld [tilespmem:s18+$0x2110]  }
0x29: {  	s19 =	simm.s32 $0x100;
	v5 =	vld [tilespmem:s18+$0x100];
	[tilespmem:s17+$0x6110] =	vst v8  }
.LBB2_2:
0x2a: {  	s20 =	sshra.s32 s19, $0x2;
	v8 =	vadd.f32 v0, v6;
	v0 =	vld [tilespmem:s18+$0x2100];
	p0 =	sne.s32 s19, $0x7F80  }
.Ltmp0:
0x2b: {  	s19 =	sadd.s32 $0x80, s19;
	v7 =	vmul.f32 v3, v1;
	v1 =	vld [tilespmem:s20+$0x4110];
	(pc) =	sbr.rel @p0 .LBB2_2-.Ltmp0, $4  }
0x2c: {  	v3 =	vld [tilespmem:s20+$0x110];
	[tilespmem:s17+$0x6100] =	vst v8;
	v6 =	vmov v4;
	s17 =	smov.u32 s18;
	s18 =	smov.u32 s20  }
0x2d: {  	v4 =	vld [tilespmem:s18+$0x4100];
	v7 =	vadd.f32 v2, v7  }
0x2e: {  	v2 =	vld [tilespmem:s18+$0x2110];
	v6 =	vmul.f32 v5, v6  }
0x2f: {  	v5 =	vld [tilespmem:s18+$0x100];
	[tilespmem:s17+$0x6110] =	vst v7  }
0x30: {  	_ = 	snop  }
0x31: {  	v7 =	vld [tilespmem:s18+$0x2100];
	_ =	sdelay $0x1  }
0x32: {  	v1 =	vmul.f32 v3, v1  }
0x33: {  	v0 =	vadd.f32 v0, v6;
	v62 =	vmul.f32 v5, v4  }
0x34: {  	v1 =	vadd.f32 v2, v1  }
0x35: {  	s16 =	sadd.s32 $0x1, s16;
	[tilespmem:s17+$0x6100] =	vst v0;
	v63 =	vadd.f32 v7, v62  }
0x36: {  	p0 =	sne.s32 s16, s8;
	[tilespmem:s18+$0x6110] =	vst v1  }
.Ltmp1:
0x37: {  	[tilespmem:s18+$0x6100] =	vst v63;
	(pc) =	sbr.rel @p0 .LBB2_1-.Ltmp1, $4  }
0x38: {  	[hbm4b:s7+s2] =	stream.linear.scatter [tilespmem:s15], [sflag:$0x3], $0x2000, $0x38;
	[tilespmem:$0x8100] =	vst v63  }
0x39: {  	_ =	swait.ge [sflag:s9], $0x2000  }
0x3a: {  	[sflag:s9] =	ssyncset.done $0x0  }
0x3b: {  	[sflag:s9] =	ssyncadd.s32 $0xFFFFE000  }
0x3c: {  	_ =	sfence.sel $0x180000  }
0x3d: {  	[bflag:$0x0] =	sbarrier.arrive $0xFFFF  }
0x3e: {  	p0 =	sne.s32 s0, $0x0;
	_ =	strace $0x90000047  }
0x3f: {  	s0 =	sadd.s32 @!p0 $0x100000, s1;
	[bflag:$0x2] =	sbarrier.arrive $0xFFFF  }
0x40: {  	[sflag:s0] =	ssyncadd.tile.s32 @!p0 $0x1;
	_ =	shalt  }
.Lfunc_end2:
_tile_overlayer_lowered:
.L_overlay_start_2:
0x41: {  	(tag) =	ssettag $0x2  }
0x42: {  	s0 =	rddreg [dreg:$0x0];
	s2 =	stileid.u32  }
0x43: {  	s1 =	rddreg [dreg:$0x1];
	p0 =	sne.s32 s2, $0x0  }
0x44: {  	s3 =	rddreg [dreg:$0x2];
	[bflag:$0x3] =	sbarrier.arrive $0xFFFF;
	s2 =	simm.s32 @!p0 $0x1C03  }
0x45: {  	[timem:s3], [sflag:s2] =	dma.local @!p0 [hbm:s0], s1  }
0x46: {  	s0 =	simm.s32 @!p0 $0x3  }
0x47: {  	_ =	swait.ge @!p0 [sflag:s0], s1  }
0x48: {  	s1 =	ssub.s32 @!p0 $0x0, s1;
	[sflag:s0] =	ssyncset.done @!p0 $0x0  }
0x49: {  	[sflag:s0] =	ssyncadd.s32 @!p0 s1  }
0x4a: {  	[bflag:$0x3] =	sbarrier.arrive $0xFFFF  }
0x4b: {  	_ =	shalt  }

</sc_bundles>
